<compile_context>
chip_gen: v7x
topology: tpu7x:2x2x1
jax: 0.10.2.dev20260603
libtpu: 0.0.44.dev20260713+nightly
codegen_flags: <defaults>
</compile_context>

<pallas_src>
import functools

import jax
import jax.numpy as jnp
from jax import lax
from jax.experimental import pallas as pl
from jax.experimental.pallas import tpu as pltpu
from jax.experimental.pallas import tpu_sc as plsc

_LB = 1024
_B = 16


def _routing_body(io_hbm, out_hbm, io_v, out_v, perm_v, unm_v):
    wid = lax.axis_index("s") * 2 + lax.axis_index("c")

    @pl.when(wid == 0)
    def _():
        pltpu.sync_copy(io_hbm, io_v)
        mask = io_v[0]
        stp = io_v[1]
        unm = mask == 0
        unm_i = jnp.where(unm, jnp.int32(1), jnp.int32(0))
        out_v[0] = jnp.where(unm, stp, jnp.int32(0))

        iota = lax.iota(jnp.int32, 16)
        key = unm_i * 16 + iota
        _, perm = lax.sort((key, iota), num_keys=1)
        perm_v[...] = perm
        out_v[2] = perm
        unm_v[...] = unm_i
        unm_p = plsc.load_gather(unm_v, [perm])
        out_v[1] = 1 - unm_p

        any_u = plsc.all_reduce_population_count(unm_p == 1)
        ffs = plsc.all_reduce_ffs(unm_p == 1)
        safe_ffs = jnp.where(any_u > 0, ffs, jnp.int32(0))
        first_row = plsc.load_gather(perm_v, [safe_ffs])
        out_v[3] = jnp.where(unm_p == 1, perm, first_row)

        pltpu.sync_copy(out_v, out_hbm)


def _sc_routing(mask_i, steps):
    kern = functools.partial(
        pl.kernel,
        out_type=jax.ShapeDtypeStruct((4, _B), jnp.int32),
        mesh=plsc.VectorSubcoreMesh(core_axis_name="c", subcore_axis_name="s"),
        scratch_types=[
            pltpu.VMEM((2, _B), jnp.int32),
            pltpu.VMEM((4, _B), jnp.int32),
            pltpu.VMEM((_B,), jnp.int32),
            pltpu.VMEM((_B,), jnp.int32),
        ],
        compiler_params=pltpu.CompilerParams(needs_layout_passes=False),
    )(_routing_body)
    out = kern(jnp.stack([mask_i, steps]))
    return out[0], out[1], out[2], out[3]


def _rows_body(maskp_ref, perm_ref, src_ref, pred_ref, z_ref,
               pi_ref, zi_ref, po_ref, zo_ref):
    t = pl.program_id(1)
    m = maskp_ref[t] != 0

    @pl.when(jnp.logical_and(m, t < 2))
    def _():
        po_ref[0] = jnp.broadcast_to(pi_ref[0], po_ref.shape[1:])
        zo_ref[0] = jnp.broadcast_to(zi_ref[0], zo_ref.shape[1:])

    @pl.when(jnp.logical_not(m))
    def _():
        po_ref[...] = pred_ref[...]
        zo_ref[...] = z_ref[...]


def kernel(prediction_y, reasoning_Z, steps, mask, pred_init, Z_init):
    B, L, D = prediction_y.shape
    J = L // _LB
    mask_i = mask.astype(jnp.int32)
    steps_out, mask_p, perm, src_row = _sc_routing(mask_i, steps)

    def in_map(j, t, maskp_ref, perm_ref, src_ref):
        return (src_ref[t], j, 0)

    def out_map(j, t, maskp_ref, perm_ref, src_ref):
        return (perm_ref[t], j, 0)

    def init_map(j, t, maskp_ref, perm_ref, src_ref):
        return (0, 0, 0)

    grid_spec = pltpu.PrefetchScalarGridSpec(
        num_scalar_prefetch=3,
        grid=(J, B),
        in_specs=[
            pl.BlockSpec((1, _LB, D), in_map),
            pl.BlockSpec((1, _LB, D), in_map),
            pl.BlockSpec((1, 1, D), init_map),
            pl.BlockSpec((1, 1, D), init_map),
        ],
        out_specs=[
            pl.BlockSpec((1, _LB, D), out_map),
            pl.BlockSpec((1, _LB, D), out_map),
        ],
    )
    pred_out, Z_out = pl.pallas_call(
        _rows_body,
        grid_spec=grid_spec,
        out_shape=[jax.ShapeDtypeStruct((B, L, D), jnp.float32)] * 2,
    )(mask_p, perm, src_row, prediction_y, reasoning_Z, pred_init, Z_init)
    return (pred_out, Z_out, steps_out)

# --- scband reference (transcript-rebuilt; emitter-appended) ---
"""Pipeline reference for scband-trmmemory-initializer-2920577761929 (READ-ONLY COPY).

The authoritative reference and input builder live on the scoring server;
editing this copy changes nothing except your own understanding.
"""

import jax, jax.numpy as jnp
import numpy as np

B = 16
SEQ_LEN = 2048
D = 1024

def _trunc_normal(key, shape, std=1.0):
    # approximation of trunc_normal_init_(std=1): normal clipped to +/-2 std
    return jnp.clip(jax.random.normal(key, shape, dtype=jnp.float32) * std, -2.0 * std, 2.0 * std)

def setup_inputs(seed: int = 0) -> dict:
    key = jax.random.key(seed)
    k1, k2, k3, k4, k5, k6 = jax.random.split(key, 6)
    prediction_y = jax.random.normal(k1, (B, SEQ_LEN, D), dtype=jnp.float32)
    reasoning_Z = jax.random.normal(k2, (B, SEQ_LEN, D), dtype=jnp.float32)
    steps = jax.random.randint(k3, (B,), 0, 16).astype(jnp.int32)
    mask = jax.random.randint(k4, (B,), 0, 2).astype(bool)
    # learned buffers (pred_init, Z_init) sized per init cfg
    pred_init = _trunc_normal(k5, (1, 1, D), std=1.0)
    Z_init = _trunc_normal(k6, (1, 1, D), std=1.0)
    return {"prediction_y": prediction_y, "reasoning_Z": reasoning_Z, "steps": steps, "mask": mask, "pred_init": pred_init, "Z_init": Z_init}

def reference(prediction_y, reasoning_Z, steps, mask, pred_init, Z_init):
    # faithful translation of TRMMemoryInitializer.reset_memory:
    #   idx = mask.nonzero(); mem.prediction_y.index_copy_(0, idx, pred_init.expand(...))
    #   mem.reasoning_Z.index_copy_(0, idx, Z_init.expand(...)); mem.steps.index_fill_(0, idx, 0)
    Bn, L, Dd = prediction_y.shape
    pred_rows = jnp.broadcast_to(pred_init, (Bn, L, Dd))
    Z_rows = jnp.broadcast_to(Z_init, (Bn, L, Dd))
    row_mask = mask[:, None, None]
    pred_out = jnp.where(row_mask, pred_rows, prediction_y)
    Z_out = jnp.where(row_mask, Z_rows, reasoning_Z)
    steps_out = jnp.where(mask, jnp.int32(0), steps)
    return (pred_out, Z_out, steps_out)

if __name__ == "__main__":
    import jax
    _d = setup_inputs()
    print(jax.jit(kernel)(*tuple(_d.values())))

</pallas_src>

<mosaic_0001>
#map = affine_map<(d0, d1) -> (0, 0)>
module attributes {stable_mosaic.version = 14 : i64} {
  func.func @_routing_body(%arg0: i32, %arg1: i32, %arg2: memref<2x16xi32, #tpu.memory_space<hbm>>, %arg3: memref<4x16xi32, #tpu.memory_space<hbm>>, %arg4: memref<2x16xi32, #tpu.memory_space<vmem>>, %arg5: memref<4x16xi32, #tpu.memory_space<vmem>>, %arg6: memref<16xi32, #tpu.memory_space<vmem>>, %arg7: memref<16xi32, #tpu.memory_space<vmem>>) attributes {dimension_semantics = [#tpu.dimension_semantics<core_parallel>, #tpu.dimension_semantics<subcore_parallel>], iteration_bounds = array<i64: 2, 16>, scalar_prefetch = 0 : i64, scratch_operands = 4 : i64, tpu.core_type = #tpu.core_type<sc_vector_subcore>, window_params = [{transform_indices = #map}, {transform_indices = #map}]} {
    %mul3A = arith.constant 2 : i32
    %mul3A_0 = arith.muli %arg1, %mul3A : i32
    %add3A = arith.addi %mul3A_0, %arg0 : i32
    %eq3A = arith.constant 0 : i32
    %eq3A_1 = arith.cmpi eq, %add3A, %eq3A : i32
    %convert_element_type3A = arith.extui %eq3A_1 : i1 to i32
    %cond3A = arith.constant 0 : i32
    %cond3A_2 = arith.cmpi ne, %convert_element_type3A, %cond3A : i32
    scf.if %cond3A_2 {
      "tpu.region"() ({
        %run_scoped3A = tpu.sem_alloc : memref<!tpu.dma_semaphore, #tpu.memory_space<semaphore_mem>>
        tpu.enqueue_dma source(%arg2 : memref<2x16xi32, #tpu.memory_space<hbm>>) target(%arg4 : memref<2x16xi32, #tpu.memory_space<vmem>>) target_semaphore(%run_scoped3A : memref<!tpu.dma_semaphore, #tpu.memory_space<semaphore_mem>>)
        tpu.wait_dma2 semaphore(%run_scoped3A : memref<!tpu.dma_semaphore, #tpu.memory_space<semaphore_mem>>) src(%arg2 : memref<2x16xi32, #tpu.memory_space<hbm>>) dst(%arg4 : memref<2x16xi32, #tpu.memory_space<vmem>>)
        tpu.yield
      }) : () -> ()
      %get3A = arith.constant 0 : i32
      %get3A_3 = arith.index_cast %get3A : i32 to index
      %get3A_4 = arith.constant 0 : index
      %get3A_5 = tpu.vector_load %arg4[%get3A_3, %get3A_4] {strides = array<i32>} : memref<2x16xi32, #tpu.memory_space<vmem>>, vector<16xi32>,
      %get3A_6 = arith.constant 1 : i32
      %get3A_7 = arith.index_cast %get3A_6 : i32 to index
      %get3A_8 = arith.constant 0 : index
      %get3A_9 = tpu.vector_load %arg4[%get3A_7, %get3A_8] {strides = array<i32>} : memref<2x16xi32, #tpu.memory_space<vmem>>, vector<16xi32>,
      %eq3A_10 = arith.constant 0 : i32
      %eq3A_11 = vector.broadcast %eq3A_10 : i32 to vector<16xi32>
      %eq3A_12 = arith.cmpi eq, %get3A_5, %eq3A_11 : vector<16xi32>
      %jit3A = arith.constant 1 : i32
      %jit3A_13 = arith.constant 0 : i32
      %broadcast_in_dim3A = vector.broadcast %jit3A : i32 to vector<16xi32>
      %broadcast_in_dim3A_14 = vector.broadcast %jit3A_13 : i32 to vector<16xi32>
      %select_n3A = arith.select %eq3A_12, %broadcast_in_dim3A, %broadcast_in_dim3A_14 : vector<16xi1>, vector<16xi32>
      %jit3A_15 = arith.constant 0 : i32
      %broadcast_in_dim3A_16 = vector.broadcast %jit3A_15 : i32 to vector<16xi32>
      %select_n3A_17 = arith.select %eq3A_12, %get3A_9, %broadcast_in_dim3A_16 : vector<16xi1>, vector<16xi32>
      %swap3A = arith.constant 0 : i32
      %swap3A_18 = arith.index_cast %swap3A : i32 to index
      %swap3A_19 = arith.constant 0 : index
      %swap3A_20 = tpu.vector_load %arg5[%swap3A_18, %swap3A_19] {strides = array<i32>} : memref<4x16xi32, #tpu.memory_space<vmem>>, vector<16xi32>,
      tpu.vector_store %arg5[%swap3A_18, %swap3A_19], %select_n3A_17 {strides = array<i32>} : memref<4x16xi32, #tpu.memory_space<vmem>>, vector<16xi32>,
      %iota3A = tpu.iota {dimensions = array<i32: 0>} : vector<16xi32>
      %mul3A_21 = arith.constant 16 : i32
      %mul3A_22 = vector.broadcast %mul3A_21 : i32 to vector<16xi32>
      %mul3A_23 = arith.muli %select_n3A, %mul3A_22 : vector<16xi32>
      %add3A_24 = arith.addi %mul3A_23, %iota3A : vector<16xi32>
      %sort3A = arith.constant dense<true> : vector<16xi1>
      %sort3A_25, %sort3A_26, %sort3A_27 = tpu.sort %add3A_24, %iota3A masked %sort3A : (vector<16xi32>, vector<16xi32>, vector<16xi1>) -> (vector<16xi1>, vector<16xi32>, vector<16xi32>)
      %swap3A_28 = arith.constant 0 : index
      %swap3A_29 = tpu.vector_load %arg6[%swap3A_28] {strides = array<i32>} : memref<16xi32, #tpu.memory_space<vmem>>, vector<16xi32>,
      tpu.vector_store %arg6[%swap3A_28], %sort3A_27 {strides = array<i32>} : memref<16xi32, #tpu.memory_space<vmem>>, vector<16xi32>,
      %swap3A_30 = arith.constant 2 : i32
      %swap3A_31 = arith.index_cast %swap3A_30 : i32 to index
      %swap3A_32 = arith.constant 0 : index
      %swap3A_33 = tpu.vector_load %arg5[%swap3A_31, %swap3A_32] {strides = array<i32>} : memref<4x16xi32, #tpu.memory_space<vmem>>, vector<16xi32>,
      tpu.vector_store %arg5[%swap3A_31, %swap3A_32], %sort3A_27 {strides = array<i32>} : memref<4x16xi32, #tpu.memory_space<vmem>>, vector<16xi32>,
      %swap3A_34 = arith.constant 0 : index
      %swap3A_35 = tpu.vector_load %arg7[%swap3A_34] {strides = array<i32>} : memref<16xi32, #tpu.memory_space<vmem>>, vector<16xi32>,
      tpu.vector_store %arg7[%swap3A_34], %select_n3A {strides = array<i32>} : memref<16xi32, #tpu.memory_space<vmem>>, vector<16xi32>,
      %gather3A = tpu.vector_load_idx %arg7[%sort3A_27] : memref<16xi32, #tpu.memory_space<vmem>>[vector<16xi32>], vector<16xi32>,
      %sub3A = arith.constant 1 : i32
      %sub3A_36 = vector.broadcast %sub3A : i32 to vector<16xi32>
      %sub3A_37 = arith.subi %sub3A_36, %gather3A : vector<16xi32>
      %swap3A_38 = arith.constant 1 : i32
      %swap3A_39 = arith.index_cast %swap3A_38 : i32 to index
      %swap3A_40 = arith.constant 0 : index
      %swap3A_41 = tpu.vector_load %arg5[%swap3A_39, %swap3A_40] {strides = array<i32>} : memref<4x16xi32, #tpu.memory_space<vmem>>, vector<16xi32>,
      tpu.vector_store %arg5[%swap3A_39, %swap3A_40], %sub3A_37 {strides = array<i32>} : memref<4x16xi32, #tpu.memory_space<vmem>>, vector<16xi32>,
      %eq3A_42 = arith.constant 1 : i32
      %eq3A_43 = vector.broadcast %eq3A_42 : i32 to vector<16xi32>
      %eq3A_44 = arith.cmpi eq, %gather3A, %eq3A_43 : vector<16xi32>
      %all_reduce_population_count3A = tpu.all_reduce %eq3A_44 {dim = 0 : i64, kind = #tpu.reduction_kind<sum>} : vector<16xi1> -> vector<16xi32>
      %eq3A_45 = arith.constant 1 : i32
      %eq3A_46 = vector.broadcast %eq3A_45 : i32 to vector<16xi32>
      %eq3A_47 = arith.cmpi eq, %gather3A, %eq3A_46 : vector<16xi32>
      %all_reduce_ffs3A = tpu.all_reduce %eq3A_47 {dim = 0 : i64, kind = #tpu.reduction_kind<find_first_set>} : vector<16xi1> -> vector<16xi32>
      %gt3A = arith.constant 0 : i32
      %gt3A_48 = vector.broadcast %gt3A : i32 to vector<16xi32>
      %gt3A_49 = arith.cmpi sgt, %all_reduce_population_count3A, %gt3A_48 : vector<16xi32>
      %jit3A_50 = arith.constant 0 : i32
      %broadcast_in_dim3A_51 = vector.broadcast %jit3A_50 : i32 to vector<16xi32>
      %select_n3A_52 = arith.select %gt3A_49, %all_reduce_ffs3A, %broadcast_in_dim3A_51 : vector<16xi1>, vector<16xi32>
      %gather3A_53 = tpu.vector_load_idx %arg6[%select_n3A_52] : memref<16xi32, #tpu.memory_space<vmem>>[vector<16xi32>], vector<16xi32>,
      %eq3A_54 = arith.constant 1 : i32
      %eq3A_55 = vector.broadcast %eq3A_54 : i32 to vector<16xi32>
      %eq3A_56 = arith.cmpi eq, %gather3A, %eq3A_55 : vector<16xi32>
      %select_n3A_57 = arith.select %eq3A_56, %sort3A_27, %gather3A_53 : vector<16xi1>, vector<16xi32>
      %swap3A_58 = arith.constant 3 : i32
      %swap3A_59 = arith.index_cast %swap3A_58 : i32 to index
      %swap3A_60 = arith.constant 0 : index
      %swap3A_61 = tpu.vector_load %arg5[%swap3A_59, %swap3A_60] {strides = array<i32>} : memref<4x16xi32, #tpu.memory_space<vmem>>, vector<16xi32>,
      tpu.vector_store %arg5[%swap3A_59, %swap3A_60], %select_n3A_57 {strides = array<i32>} : memref<4x16xi32, #tpu.memory_space<vmem>>, vector<16xi32>,
      "tpu.region"() ({
        %run_scoped3A = tpu.sem_alloc : memref<!tpu.dma_semaphore, #tpu.memory_space<semaphore_mem>>
        tpu.enqueue_dma source(%arg5 : memref<4x16xi32, #tpu.memory_space<vmem>>) target(%arg3 : memref<4x16xi32, #tpu.memory_space<hbm>>) target_semaphore(%run_scoped3A : memref<!tpu.dma_semaphore, #tpu.memory_space<semaphore_mem>>)
        tpu.wait_dma2 semaphore(%run_scoped3A : memref<!tpu.dma_semaphore, #tpu.memory_space<semaphore_mem>>) src(%arg5 : memref<4x16xi32, #tpu.memory_space<vmem>>) dst(%arg3 : memref<4x16xi32, #tpu.memory_space<hbm>>)
        tpu.yield
      }) : () -> ()
    } else {
    }
    return
  }
}

module attributes {stable_mosaic.version = 14 : i64} {
  func.func @_rows_body(%arg0: i32, %arg1: i32, %arg2: memref<16xi32, #tpu.memory_space<smem>>, %arg3: memref<16xi32, #tpu.memory_space<smem>>, %arg4: memref<16xi32, #tpu.memory_space<smem>>, %arg5: memref<1x1024x1024xf32, #tpu.memory_space<vmem>>, %arg6: memref<1x1024x1024xf32, #tpu.memory_space<vmem>>, %arg7: memref<1x1x1024xf32, #tpu.memory_space<vmem>>, %arg8: memref<1x1x1024xf32, #tpu.memory_space<vmem>>, %arg9: memref<1x1024x1024xf32, #tpu.memory_space<vmem>>, %arg10: memref<1x1024x1024xf32, #tpu.memory_space<vmem>>) attributes {dimension_semantics = [#tpu.dimension_semantics<arbitrary>, #tpu.dimension_semantics<arbitrary>], iteration_bounds = array<i64: 2, 16>, scalar_prefetch = 3 : i64, scratch_operands = 0 : i64, tpu.core_type = #tpu.core_type<tc>, window_params = [{transform_indices = @transform_0, window_bounds = array<i64: 1, 1024, 1024>}, {transform_indices = @transform_1, window_bounds = array<i64: 1, 1024, 1024>}, {pipeline_mode = #tpu.pipeline_mode<synchronous>, transform_indices = @transform_2, window_bounds = array<i64: 1, 1, 1024>}, {pipeline_mode = #tpu.pipeline_mode<synchronous>, transform_indices = @transform_3, window_bounds = array<i64: 1, 1, 1024>}, {transform_indices = @transform_4, window_bounds = array<i64: 1, 1024, 1024>}, {transform_indices = @transform_5, window_bounds = array<i64: 1, 1024, 1024>}]} {
    %get3A = arith.index_cast %arg1 : i32 to index
    %get3A_0 = memref.load %arg2[%get3A] : memref<16xi32, #tpu.memory_space<smem>>
    %ne3A = arith.constant 0 : i32
    %ne3A_1 = arith.cmpi ne, %get3A_0, %ne3A : i32
    %lt3A = arith.constant 2 : i32
    %lt3A_2 = arith.cmpi slt, %arg1, %lt3A : i32
    %and3A = arith.andi %ne3A_1, %lt3A_2 : i1
    %convert_element_type3A = arith.extui %and3A : i1 to i32
    %cond3A = arith.constant 0 : i32
    %cond3A_3 = arith.cmpi ne, %convert_element_type3A, %cond3A : i32
    scf.if %cond3A_3 {
      %get3A_8 = arith.constant 0 : index
      %get3A_9 = arith.constant 0 : index
      %get3A_10 = arith.constant 0 : index
      %get3A_11 = vector.load %arg7[%get3A_8, %get3A_9, %get3A_10] : memref<1x1x1024xf32, #tpu.memory_space<vmem>>, vector<1x1x1024xf32>
      %get3A_12 = vector.shape_cast %get3A_11 : vector<1x1x1024xf32> to vector<1x1024xf32>
      %broadcast_in_dim3A = vector.shape_cast %get3A_12 : vector<1x1024xf32> to vector<1x1024xf32>
      %broadcast_in_dim3A_13 = vector.broadcast %broadcast_in_dim3A : vector<1x1024xf32> to vector<1024x1024xf32>
      %swap3A = arith.constant 0 : index
      %swap3A_14 = arith.constant 0 : index
      %swap3A_15 = arith.constant 0 : index
      %swap3A_16 = vector.load %arg9[%swap3A, %swap3A_14, %swap3A_15] : memref<1x1024x1024xf32, #tpu.memory_space<vmem>>, vector<1x1024x1024xf32>
      %swap3A_17 = vector.shape_cast %swap3A_16 : vector<1x1024x1024xf32> to vector<1024x1024xf32>
      %swap3A_18 = vector.shape_cast %broadcast_in_dim3A_13 : vector<1024x1024xf32> to vector<1x1024x1024xf32>
      tpu.vector_store %arg9[%swap3A, %swap3A_14, %swap3A_15], %swap3A_18 {strides = array<i32>} : memref<1x1024x1024xf32, #tpu.memory_space<vmem>>, vector<1x1024x1024xf32>,
      %get3A_19 = arith.constant 0 : index
      %get3A_20 = arith.constant 0 : index
      %get3A_21 = arith.constant 0 : index
      %get3A_22 = vector.load %arg8[%get3A_19, %get3A_20, %get3A_21] : memref<1x1x1024xf32, #tpu.memory_space<vmem>>, vector<1x1x1024xf32>
      %get3A_23 = vector.shape_cast %get3A_22 : vector<1x1x1024xf32> to vector<1x1024xf32>
      %broadcast_in_dim3A_24 = vector.shape_cast %get3A_23 : vector<1x1024xf32> to vector<1x1024xf32>
      %broadcast_in_dim3A_25 = vector.broadcast %broadcast_in_dim3A_24 : vector<1x1024xf32> to vector<1024x1024xf32>
      %swap3A_26 = arith.constant 0 : index
      %swap3A_27 = arith.constant 0 : index
      %swap3A_28 = arith.constant 0 : index
      %swap3A_29 = vector.load %arg10[%swap3A_26, %swap3A_27, %swap3A_28] : memref<1x1024x1024xf32, #tpu.memory_space<vmem>>, vector<1x1024x1024xf32>
      %swap3A_30 = vector.shape_cast %swap3A_29 : vector<1x1024x1024xf32> to vector<1024x1024xf32>
      %swap3A_31 = vector.shape_cast %broadcast_in_dim3A_25 : vector<1024x1024xf32> to vector<1x1024x1024xf32>
      tpu.vector_store %arg10[%swap3A_26, %swap3A_27, %swap3A_28], %swap3A_31 {strides = array<i32>} : memref<1x1024x1024xf32, #tpu.memory_space<vmem>>, vector<1x1024x1024xf32>,
    } else {
    }
    %not3A = arith.constant true
    %not3A_4 = arith.xori %ne3A_1, %not3A : i1
    %convert_element_type3A_5 = arith.extui %not3A_4 : i1 to i32
    %cond3A_6 = arith.constant 0 : i32
    %cond3A_7 = arith.cmpi ne, %convert_element_type3A_5, %cond3A_6 : i32
    scf.if %cond3A_7 {
      %get3A_8 = arith.constant 0 : index
      %get3A_9 = arith.constant 0 : index
      %get3A_10 = arith.constant 0 : index
      %get3A_11 = vector.load %arg5[%get3A_8, %get3A_9, %get3A_10] : memref<1x1024x1024xf32, #tpu.memory_space<vmem>>, vector<1x1024x1024xf32>
      %swap3A = arith.constant 0 : index
      %swap3A_12 = arith.constant 0 : index
      %swap3A_13 = arith.constant 0 : index
      %swap3A_14 = vector.load %arg9[%swap3A, %swap3A_12, %swap3A_13] : memref<1x1024x1024xf32, #tpu.memory_space<vmem>>, vector<1x1024x1024xf32>
      tpu.vector_store %arg9[%swap3A, %swap3A_12, %swap3A_13], %get3A_11 {strides = array<i32>} : memref<1x1024x1024xf32, #tpu.memory_space<vmem>>, vector<1x1024x1024xf32>,
      %get3A_15 = arith.constant 0 : index
      %get3A_16 = arith.constant 0 : index
      %get3A_17 = arith.constant 0 : index
      %get3A_18 = vector.load %arg6[%get3A_15, %get3A_16, %get3A_17] : memref<1x1024x1024xf32, #tpu.memory_space<vmem>>, vector<1x1024x1024xf32>
      %swap3A_19 = arith.constant 0 : index
      %swap3A_20 = arith.constant 0 : index
      %swap3A_21 = arith.constant 0 : index
      %swap3A_22 = vector.load %arg10[%swap3A_19, %swap3A_20, %swap3A_21] : memref<1x1024x1024xf32, #tpu.memory_space<vmem>>, vector<1x1024x1024xf32>
      tpu.vector_store %arg10[%swap3A_19, %swap3A_20, %swap3A_21], %get3A_18 {strides = array<i32>} : memref<1x1024x1024xf32, #tpu.memory_space<vmem>>, vector<1x1024x1024xf32>,
    } else {
    }
    return
  }
  func.func @transform_0(%arg0: i32, %arg1: i32, %arg2: memref<16xi32, #tpu.memory_space<smem>>, %arg3: memref<16xi32, #tpu.memory_space<smem>>, %arg4: memref<16xi32, #tpu.memory_space<smem>>) -> (i32, i32, i32) {
    %get3A = arith.index_cast %arg1 : i32 to index
    %get3A_0 = memref.load %arg4[%get3A] : memref<16xi32, #tpu.memory_space<smem>>
    %c0_i32 = arith.constant 0 : i32
    %c0_i32_1 = arith.constant 0 : i32
    return %get3A_0, %arg0, %c0_i32 : i32, i32, i32
  }
  func.func @transform_1(%arg0: i32, %arg1: i32, %arg2: memref<16xi32, #tpu.memory_space<smem>>, %arg3: memref<16xi32, #tpu.memory_space<smem>>, %arg4: memref<16xi32, #tpu.memory_space<smem>>) -> (i32, i32, i32) {
    %get3A = arith.index_cast %arg1 : i32 to index
    %get3A_0 = memref.load %arg4[%get3A] : memref<16xi32, #tpu.memory_space<smem>>
    %c0_i32 = arith.constant 0 : i32
    %c0_i32_1 = arith.constant 0 : i32
    return %get3A_0, %arg0, %c0_i32 : i32, i32, i32
  }
  func.func @transform_2(%arg0: i32, %arg1: i32, %arg2: memref<16xi32, #tpu.memory_space<smem>>, %arg3: memref<16xi32, #tpu.memory_space<smem>>, %arg4: memref<16xi32, #tpu.memory_space<smem>>) -> (i32, i32, i32) {
    %c0_i32 = arith.constant 0 : i32
    %c0_i32_0 = arith.constant 0 : i32
    %c0_i32_1 = arith.constant 0 : i32
    %c0_i32_2 = arith.constant 0 : i32
    return %c0_i32, %c0_i32_0, %c0_i32_1 : i32, i32, i32
  }
  func.func @transform_3(%arg0: i32, %arg1: i32, %arg2: memref<16xi32, #tpu.memory_space<smem>>, %arg3: memref<16xi32, #tpu.memory_space<smem>>, %arg4: memref<16xi32, #tpu.memory_space<smem>>) -> (i32, i32, i32) {
    %c0_i32 = arith.constant 0 : i32
    %c0_i32_0 = arith.constant 0 : i32
    %c0_i32_1 = arith.constant 0 : i32
    %c0_i32_2 = arith.constant 0 : i32
    return %c0_i32, %c0_i32_0, %c0_i32_1 : i32, i32, i32
  }
  func.func @transform_4(%arg0: i32, %arg1: i32, %arg2: memref<16xi32, #tpu.memory_space<smem>>, %arg3: memref<16xi32, #tpu.memory_space<smem>>, %arg4: memref<16xi32, #tpu.memory_space<smem>>) -> (i32, i32, i32) {
    %get3A = arith.index_cast %arg1 : i32 to index
    %get3A_0 = memref.load %arg3[%get3A] : memref<16xi32, #tpu.memory_space<smem>>
    %c0_i32 = arith.constant 0 : i32
    %c0_i32_1 = arith.constant 0 : i32
    return %get3A_0, %arg0, %c0_i32 : i32, i32, i32
  }
  func.func @transform_5(%arg0: i32, %arg1: i32, %arg2: memref<16xi32, #tpu.memory_space<smem>>, %arg3: memref<16xi32, #tpu.memory_space<smem>>, %arg4: memref<16xi32, #tpu.memory_space<smem>>) -> (i32, i32, i32) {
    %get3A = arith.index_cast %arg1 : i32 to index
    %get3A_0 = memref.load %arg3[%get3A] : memref<16xi32, #tpu.memory_space<smem>>
    %c0_i32 = arith.constant 0 : i32
    %c0_i32_1 = arith.constant 0 : i32
    return %get3A_0, %arg0, %c0_i32 : i32, i32, i32
  }
}

</mosaic_0001>

<sc_bundles>
// kernel: kernel.4.cloned.1.call-start
scs
__scs_entry_jumppad:
0x0: {  	(pc) =	sbr.rel $0x88, $3  }
0x1: {  	(tag) =	ssettag $0x0;
	lr =	simm.s32 $0x1  }
0x2: {  	[smem:$0x3F9B] =	sst lr;
	_ =	strace $0xD0000000  }
0x3: {  	_ = 	snop  }
0x4: {  	_ = 	snop  }
0x5: {  	_ = 	snop  }
0x6: {  	_ = 	snop  }
0x7: {  	_ = 	snop  }
__scs_overlays_trampoline_lowered:
0x8: {  	[smem:$0x3FAA] =	sst s0  }
0x9: {  	[smem:$0x3FAB] =	sst s1  }
0xa: {  	[smem:$0x3FAC] =	sst s2  }
0xb: {  	[smem:$0x3FAD] =	sst s3  }
0xc: {  	[smem:$0x3FAE] =	sst s4  }
0xd: {  	[smem:$0x3FAF] =	sst s5  }
0xe: {  	[smem:$0x3FB0] =	sst s6  }
0xf: {  	[smem:$0x3FB1] =	sst s7  }
0x10: {  	[smem:$0x3FB2] =	sst s8  }
0x11: {  	[smem:$0x3FB3] =	sst s9;
	s0 =	simm.s32 @!p0 $0x0  }
0x12: {  	s1 =	sld [smem:$0x3F99];
	s0 =	simm.s32 @p0 $0x1  }
0x13: {  	[smem:$0x3FB4] =	sst s0;
	s0 =	simm.s32 @!p1 $0x0  }
0x14: {  	s2 =	sld [smem:$0x3F98];
	s0 =	simm.s32 @p1 $0x1  }
0x15: {  	[smem:$0x3FB5] =	sst s0;
	s0 =	simm.s32 @!p2 $0x0  }
0x16: {  	s3 =	sld [smem:$0x3FDB];
	s0 =	simm.s32 @p2 $0x1  }
0x17: {  	s4 =	simm.s32 $0x1BF5;
	[smem:$0x3FB7] =	sst s0  }
0x18: {  	s0 =	sld [smem:$0x3F9A];
	_ =	swait.ge [sflag:s4], $0x0  }
0x19: {  	s7 =	sld [smem:$0x3F9B]  }
0x1a: {  	s8 =	sadd.s32 $0xFFFFE003, lr  }
0x1b: {  	s9 =	sadd.s32 $0xFFFFFEF7, lr;
	s5 =	simm.s32 $0xFFFFFFFF;
	p2 =	slt.u32 s8, $0xFFFFF086  }
0x1c: {  	p1 =	slt.u32 s9, $0xF7A;
	s5 =	simm.s32 @!p2 $0x0  }
0x1d: {  	s5 =	simm.s32 @p1 $0x1;
	p0 =	seq.s32 s7, s2  }
0x1e: {  	s7 =	smul.u32 @!p0 $0xF7A, s2;
	p2 =	seq.s32 @!p0 s5, $0x0  }
0x1f: {  	s9 =	smul.u32 $0xF7A, s1;
	s8 =	simm.s32 @!p0 $0x1BF5;
	p2 =	por !p2, p0  }
0x20: {  	[sflag:s8] =	ssyncset.s32 @!p0 $0xFFFFF086;
	s6 =	sadd.s32 @!p0 s3, s7;
	s7 =	simm.s32 @!p0 $0x108  }
0x21: {  	s3 =	sadd.s32 s3, s9;
	s6 =	sadd.s32 @!p0 $0x88, s6;
	s7 =	simm.s32 @p2 $0x1082  }
0x22: {  	[simem:s7], [sflag:s8] =	dma.local @!p0 [hbm:s6], $0xF7A  }
0x23: {  	s9 =	sor.u32 $0xD0000000, s2;
	s6 =	simm.s32 $0x108;
	_ =	swait.ge @!p0 [sflag:s8], $0x0  }
0x24: {  	s3 =	sadd.s32 $0x88, s3;
	s6 =	simm.s32 @!p1 $0x1082;
	[sflag:s4] =	ssyncset.s32 $0xFFFFF086  }
0x25: {  	[simem:s6], [sflag:s4] =	dma.local [hbm:s3], $0xF7A  }
0x26: {  	[smem:$0x3F9B] =	sst s1;
	(tag) =	ssettag s2;
	_ =	strace s9  }
0x27: {  	s1 =	sld [smem:$0x3FAB]  }
0x28: {  	s2 =	sld [smem:$0x3FAC]  }
0x29: {  	s4 =	sld [smem:$0x3FAE]  }
0x2a: {  	p0 =	seq.s32 s5, $0x0;
	s5 =	sld [smem:$0x3FAF]  }
0x2b: {  	s6 =	sld [smem:$0x3FB0]  }
0x2c: {  	s7 =	sld [smem:$0x3FB1]  }
0x2d: {  	s3 =	simm.s32 $0x108;
	s8 =	sld [smem:$0x3FB2]  }
0x2e: {  	s3 =	simm.s32 @!p0 $0x1082;
	s9 =	sld [smem:$0x3FB3]  }
0x2f: {  	lr =	sadd.s32 s0, s3;
	s0 =	sld [smem:$0x3FAA]  }
0x30: {  	s3 =	sld [smem:$0x3FAD]  }
0x31: {  	[smem:$0x3FB6] =	sst s10  }
0x32: {  	s10 =	sld [smem:$0x3FB4];
	_ =	sdelay $0x3  }
0x33: {  	p0 =	seq.s32 s10, $0x1;
	s10 =	sld [smem:$0x3FB6];
	_ =	sdelay $0x3  }
0x34: {  	[smem:$0x3FB6] =	sst s10  }
0x35: {  	s10 =	sld [smem:$0x3FB5];
	_ =	sdelay $0x3  }
0x36: {  	p1 =	seq.s32 s10, $0x1;
	s10 =	sld [smem:$0x3FB6];
	_ =	sdelay $0x3  }
0x37: {  	[smem:$0x3FB6] =	sst s10  }
0x38: {  	s10 =	sld [smem:$0x3FB7]  }
0x39: {  	_ = 	snop;
	(pc) =	sbr.ind lr, $3  }
0x3a: {  	_ = 	snop  }
0x3b: {  	_ = 	snop  }
0x3c: {  	p2 =	seq.s32 s10, $0x1;
	s10 =	sld [smem:$0x3FB6]  }
0x3d: {  	_ =	shalt  }
0x3e: {  	_ =	shalt  }
0x3f: {  	_ =	shalt  }
0x40: {  	_ =	shalt  }
0x41: {  	_ =	shalt  }
0x42: {  	_ =	shalt  }
0x43: {  	_ =	shalt  }
0x44: {  	_ =	shalt  }
0x45: {  	_ =	shalt  }
0x46: {  	_ =	shalt  }
0x47: {  	_ =	shalt  }
0x48: {  	_ =	shalt  }
0x49: {  	_ =	shalt  }
0x4a: {  	_ =	shalt  }
0x4b: {  	_ =	shalt  }
0x4c: {  	_ =	shalt  }
0x4d: {  	_ =	shalt  }
0x4e: {  	_ =	shalt  }
0x4f: {  	_ =	shalt  }
0x50: {  	_ =	shalt  }
0x51: {  	_ =	shalt  }
0x52: {  	_ =	shalt  }
0x53: {  	_ =	shalt  }
0x54: {  	_ =	shalt  }
0x55: {  	_ =	shalt  }
0x56: {  	_ =	shalt  }
0x57: {  	_ =	shalt  }
0x58: {  	_ =	shalt  }
0x59: {  	_ =	shalt  }
0x5a: {  	_ =	shalt  }
0x5b: {  	_ =	shalt  }
0x5c: {  	_ =	shalt  }
0x5d: {  	_ =	shalt  }
0x5e: {  	_ =	shalt  }
0x5f: {  	_ =	shalt  }
0x60: {  	_ =	shalt  }
0x61: {  	_ =	shalt  }
0x62: {  	_ =	shalt  }
0x63: {  	_ =	shalt  }
0x64: {  	_ =	shalt  }
0x65: {  	_ =	shalt  }
0x66: {  	_ =	shalt  }
0x67: {  	_ =	shalt  }
0x68: {  	_ =	shalt  }
0x69: {  	_ =	shalt  }
0x6a: {  	_ =	shalt  }
0x6b: {  	_ =	shalt  }
0x6c: {  	_ =	shalt  }
0x6d: {  	_ =	shalt  }
0x6e: {  	_ =	shalt  }
0x6f: {  	_ =	shalt  }
0x70: {  	_ =	shalt  }
0x71: {  	_ =	shalt  }
0x72: {  	_ =	shalt  }
0x73: {  	_ =	shalt  }
0x74: {  	_ =	shalt  }
0x75: {  	_ =	shalt  }
0x76: {  	_ =	shalt  }
0x77: {  	_ =	shalt  }
0x78: {  	_ =	shalt  }
0x79: {  	_ =	shalt  }
0x7a: {  	_ =	shalt  }
0x7b: {  	_ =	shalt  }
0x7c: {  	_ =	shalt  }
0x7d: {  	_ =	shalt  }
0x7e: {  	_ =	shalt  }
0x7f: {  	_ =	shalt  }
0x80: {  	_ =	shalt  }
0x81: {  	_ =	shalt  }
0x82: {  	_ =	shalt  }
0x83: {  	_ =	shalt  }
0x84: {  	_ =	shalt  }
0x85: {  	_ =	shalt  }
0x86: {  	_ =	shalt  }
0x87: {  	_ =	shalt  }
.Lfunc_end0:
.L_simem_size_0:
called_computation_lowered:
.L_overlay_start_0:
0x88: {  	s2 =	sld [smem:$0x3FD9]  }
0x89: {  	s3 =	sld [smem:$0x3FFE];
	_ =	sdelay $0x1  }
0x8a: {  	s1 =	srdreg.scid  }
0x8b: {  	s0 =	sand.u32 $0x1, s1  }
0x8c: {  	s15 =	sshll.u32 s0, $0xA;
	s2 =	sadd.s32 s3, s2  }
0x8d: {  	s2 =	sadd.s32 s2, s15  }
0x8e: {  	[smem:$0x3FC2] =	sst s2  }
0x8f: {  	_ = 	snop  }
0x90: {  	s2 =	sld [smem:$0x3FD0];
	_ =	sdelay $0x2  }
0x91: {  	s16 =	simm.s32 $0xA;
	s4 =	simm.s32 $0x10  }
0x92: {  	[smem:s4], [sflag:s16] =	dma.local [hbm:s2], $0x1  }
0x93: {  	_ =	swait.eq [sflag:s16], $0x1  }
0x94: {  	[sflag:s16] =	ssyncset.done $0x0  }
0x95: {  	s17 =	sld [smem:$0x10];
	[sflag:s16] =	ssyncadd.s32 $0xFFFFFFFF  }
0x96: {  	s18 =	sld [smem:$0x11];
	(tm) =	ssettm $0x1  }
0x97: {  	s19 =	sld [smem:$0x3FFB];
	_ =	sdelay $0x3  }
0x98: {  	_ =	strace s19  }
0x99: {  	s4 =	sld [smem:$0x3FFC];
	_ =	sdelay $0x3  }
0x9a: {  	_ =	strace s4  }
0x9b: {  	s4 =	sld [smem:$0x3FFD];
	_ =	sdelay $0x3  }
0x9c: {  	_ =	strace s4  }
0x9d: {  	_ =	strace $0x8FFFFFFF  }
0x9e: {  	s20 =	sld [smem:$0x3FDB];
	_ =	sdelay $0x1  }
0x9f: {  	s5 =	simm.s32 $_scs_section_size  }
0xa0: {  	s6 =	simm.s32 $_size__tile_overlayer_lowered;
	s7 =	simm.s32 $_tile_overlayer_lowered  }
0xa1: {  	s23 =	simm.s32 $0x1BFF;
	s22 =	sshll.u32 s7, $0x1;
	s4 =	sadd.s32 s5, s20  }
0xa2: {  	s8 =	simm.s32 $0x0;
	s21 =	sshll.u32 s6, $0x1;
	s6 =	sadd.s32 s22, s4  }
0xa3: {  	[timem:s8], [sflag:s23] =	dma.local [hbm:s6], s21  }
0xa4: {  	_ =	swait.ge [sflag:s23], s21  }
0xa5: {  	s5 =	ssub.s32 $0x0, s21;
	[sflag:s23] =	ssyncset.done $0x0  }
0xa6: {  	[sflag:s23] =	ssyncadd.s32 s5;
	_ =	sdelay $0x1  }
0xa7: {  	s24 =	simm.s32 $0x1B8B  }
0xa8: {  	_ =	swait.ge [sflag:s24], $0x1  }
0xa9: {  	[sflag:s24] =	ssyncset.done $0x0  }
0xaa: {  	s25 =	simm.s32 $0x1B8E;
	[sflag:s24] =	ssyncadd.s32 $0xFFFFFFFF  }
0xab: {  	s26 =	simm.s32 $execute0_lowered;
	[smem:$0x3FD2] =	sst s25  }
0xac: {  	s5 =	sshll.u32 s26, $0x1;
	_ =	strace $0x80000046;
	[dreg:$0x1] =	wrdreg $0xFFFFFFFF  }
0xad: {  	s28 =	simm.s32 $_size_execute0_lowered;
	s4 =	sadd.s32 s4, s5;
	[dreg:$0x0] =	wrdreg $0x0  }
0xae: {  	s5 =	sshll.u32 s28, $0x1;
	[dreg:$0x2] =	wrdreg s4  }
0xaf: {  	[dreg:$0x3] =	wrdreg s5  }
0xb0: {  	[dreg:$0x4] =	wrdreg $0xC0  }
0xb1: {  	_ =	task [dreg:s8], $0x5FFFF  }
0xb2: {  	[dreg:$0x1] =	wrdreg $0xFFFFFFFF  }
0xb3: {  	[dreg:$0x0] =	wrdreg $0x60  }
0xb4: {  	[dreg:$0x2] =	wrdreg s17  }
0xb5: {  	[dreg:$0x3] =	wrdreg s18  }
0xb6: {  	[dreg:$0x4] =	wrdreg $0x9  }
0xb7: {  	_ =	task.clear_ibuf [dreg:s8], $0x5FFFF;
	_ =	strace $0x90000046  }
0xb8: {  	s29 =	simm.s32 $0x9;
	_ =	strace $0x80000048  }
0xb9: {  	_ =	swait.ge [sflag:s29], $0x1  }
0xba: {  	[sflag:s29] =	ssyncadd.s32 $0xFFFFFFFF  }
0xbb: {  	_ =	strace $0x90000048  }
0xbc: {  	_ =	sfence  }
0xbd: {  	s30 =	sld [smem:$0x0];
	_ =	sdelay $0x2  }
0xbe: {  	s31 =	sshll.u32 s1, $0xD;
	s1 =	sshrl.u32 s1, $0x2  }
0xbf: {  	s3 =	sand.u32 $0x4000, s31;
	s1 =	sadd.s32 s1, s30  }
0xc0: {  	s0 =	sor.u32 s3, s0;
	s1 =	sshll.u32 s1, $0x11  }
0xc1: {  	s0 =	sor.u32 s1, s0  }
0xc2: {  	s0 =	sadd.s32 $0x8F2B, s0  }
0xc3: {  	[sflag:s0] =	ssyncadd.remote.s32 $0x1  }
0xc4: {  	_ =	sfence.sel $0xFFFF  }
0xc5: {  	[dreg:$0x0] =	wrdreg $0xFFFFFFFF;
	(pc) =	sbr.abs _section_cstart, $3  }
0xc6: {  	[dreg:$0x1] =	wrdreg $0xFFFFFFFF  }
0xc7: {  	_ =	task.clear_ibuf [dreg:s8], $0x2FFFF;
	_ =	strace $0x9FFFFFFF  }
0xc8: {  	(tm) =	ssettm $0x7FFFFFFF  }
0xc9: {  	_ =	shalt  }
tec
execute0_lowered:
.L_overlay_start_1:
0x0: {  	(tag) =	ssettag $0x1  }
0x1: {  	s0 =	srdreg.scid  }
0x2: {  	s4 =	sand.u32 $0x1, s0;
	s0 =	stileid.u32  }
0x3: {  	s5 =	sshll.u32 s0, $0x1;
	s6 =	ssub.s32 $0x0, s4  }
0x4: {  	p0 =	sne.s32 s5, s6  }
.Ltmp0:
0x5: {  	_ = 	snop;
	(pc) =	sbr.rel @p0 .LBB2_3-.Ltmp0, $4  }
0x6: {  	_ = 	snop  }
0x7: {  	s2 =	rddreg [dreg:$0x0]  }
0x8: {  	s3 =	rddreg [dreg:$0x1]  }
0x9: {  	s1 =	rddreg [dreg:$0x2];
	_ =	strace $0x80000047  }
0xa: {  	s4 =	ssub.s32 $0x2, s4  }
0xb: {  	s6 =	simm.s32 $0x1;
	s5 =	sshrl.u32 s4, $0x1  }
0xc: {  	v0 =	vlaneseq.u32;
	s7 =	simm.s32 $0x380;
	s8 =	simm.s32 $0x300;
	s4 =	ssub.s32 s4, s5  }
0xd: {  	v1 =	vimm.s32 $0x0;
	v3 =	vimm.s32 $0x1;
	s9 =	simm.s32 $0x100;
	v2 =	vor.u32 $0x10, v0;
	s5 =	simm.s32 $0x0;
	s4 =	smax.u32 s4, $0x1  }
.LBB2_2:
0xe: {  	[tilespmem:s5], [sflag:$0x1] =	stream.linear.gather [hbm4b:s2+s5], $0x100, $0x38;
	[tilespmem:$0x400] =	vst v63  }
0xf: {  	_ =	swait.ge [sflag:s6], $0x100  }
0x10: {  	[sflag:s6] =	ssyncset.done $0x0  }
0x11: {  	[sflag:s6] =	ssyncadd.s32 $0xFFFFFF00  }
0x12: {  	v4 =	vld [tilespmem:$0x0];
	_ =	sdelay $0x4  }
0x13: {  	vm0 =	veq.s32 v4, $0x0  }
0x14: {  	v4 =	vsel vm0, v2, v0  }
0x15: {  	(xrf1) =	vsort.ascd.msk.u32 $0xffff, v4, v0;
	_ =	sdelay $0x4  }
0x16: {  	v4 =	vld [tilespmem:$0x80];
	_ =	sdelay $0x4  }
0x17: {  	v4 =	vnsel vm0, $0x0, v4;
	_ =	sdelay $0x3  }
0x18: {  	v5 =	vsel vm0, $0x1, v1;
	[tilespmem:$0x100] =	vst v4;
	_, v4, _ =	vpop (xrf1)  }
0x19: {  	[tilespmem:$0x380] =	vst v5  }
0x1a: {  	[tilespmem:$0x300] =	vst v4  }
0x1b: {  	[tilespmem:$0x200] =	vst v4  }
0x1c: {  	v5 =	vld.idx.msk [tilespmem:v4+s7+$0x0], $0xffff;
	_ =	sdelay $0x4  }
0x1d: {  	vm15 =	veq.s32 v3, v5  }
0x1e: {  	v6 =	vmpcnt.ones.xlane vm15  }
0x1f: {  	v7 =	vmctz.xlane vm15  }
0x20: {  	vm1 =	vgt.s32 v6, $0x0  }
0x21: {  	v6 =	vnsel vm1, $0x0, v7;
	_ =	sdelay $0x2  }
0x22: {  	v5 =	vsub.s32 $0x1, v5  }
0x23: {  	[tilespmem:$0x180] =	vst v5  }
0x24: {  	v5 =	vld.idx.msk [tilespmem:v6+s8+$0x0], $0xffff;
	_ =	sdelay $0x4  }
0x25: {  	p0 =	sne.s32 s4, $0x1;
	v4 =	vsel vm15, v4, v5  }
.Ltmp1:
0x26: {  	[tilespmem:$0x280] =	vst v4;
	(pc) =	sbr.rel @p0 .LBB2_2-.Ltmp1, $4  }
0x27: {  	[hbm4b:s3+s5] =	stream.linear.scatter [tilespmem:s9], [sflag:$0x1], $0x200, $0x38;
	[tilespmem:$0x400] =	vst v63  }
0x28: {  	_ =	swait.ge [sflag:s6], $0x200  }
0x29: {  	[sflag:s6] =	ssyncset.done $0x0  }
0x2a: {  	s4 =	sadd.s32 $0xFFFFFFFF, s4;
	[sflag:s6] =	ssyncadd.s32 $0xFFFFFE00  }
.LBB2_3:
0x2b: {  	_ =	sfence.sel $0x180000  }
0x2c: {  	[bflag:$0x0] =	sbarrier.arrive $0xFFFF  }
0x2d: {  	p0 =	sne.s32 s0, $0x0;
	_ =	strace $0x90000047  }
0x2e: {  	s0 =	sadd.s32 @!p0 $0x100000, s1;
	[bflag:$0x2] =	sbarrier.arrive $0xFFFF  }
0x2f: {  	[sflag:s0] =	ssyncadd.tile.s32 @!p0 $0x1;
	_ =	shalt  }
.Lfunc_end2:
_tile_overlayer_lowered:
.L_overlay_start_2:
0x30: {  	(tag) =	ssettag $0x2  }
0x31: {  	s0 =	rddreg [dreg:$0x0];
	s2 =	stileid.u32  }
0x32: {  	s1 =	rddreg [dreg:$0x1];
	p0 =	sne.s32 s2, $0x0  }
0x33: {  	s3 =	rddreg [dreg:$0x2];
	[bflag:$0x3] =	sbarrier.arrive $0xFFFF;
	s2 =	simm.s32 @!p0 $0x1C01  }
0x34: {  	[timem:s3], [sflag:s2] =	dma.local @!p0 [hbm:s0], s1  }
0x35: {  	s0 =	simm.s32 @!p0 $0x1  }
0x36: {  	_ =	swait.ge @!p0 [sflag:s0], s1  }
0x37: {  	s1 =	ssub.s32 @!p0 $0x0, s1;
	[sflag:s0] =	ssyncset.done @!p0 $0x0  }
0x38: {  	[sflag:s0] =	ssyncadd.s32 @!p0 s1  }
0x39: {  	[bflag:$0x3] =	sbarrier.arrive $0xFFFF  }
0x3a: {  	_ =	shalt  }

</sc_bundles>
